<compile_context>
chip_gen: v7x
topology: tpu7x:2x2x1
jax: 0.10.2.dev20260603
libtpu: 0.0.44.dev20260713+nightly
codegen_flags: <defaults>
</compile_context>

<pallas_src>
import functools

import jax
import jax.numpy as jnp
from jax import lax
from jax.experimental import pallas as pl
from jax.experimental.pallas import tpu as pltpu
from jax.experimental.pallas import tpu_sc as plsc

_B, _C, _A, _W, _O, _L, _K = 1024, 100, 6, 5, 4, 256, 2
_NC, _NS = 2, 16
_NW = _NC * _NS
_IPW = (_B * _K) // _NW
_NEG = float("-inf")


def _sc_gather_rows(stab, etab, idx):
  mesh = plsc.VectorSubcoreMesh(core_axis_name="c", subcore_axis_name="s")
  f32 = jnp.float32

  @functools.partial(
      pl.kernel,
      mesh=mesh,
      out_type=[
          jax.ShapeDtypeStruct((_B * _K, _L), f32),
          jax.ShapeDtypeStruct((_B * _K, _L), f32),
      ],
      scratch_types=[
          pltpu.VMEM((_IPW,), jnp.int32),
          pltpu.VMEM((_IPW, _L), f32),
          pltpu.VMEM((_IPW, _L), f32),
          pltpu.SemaphoreType.DMA,
          pltpu.SemaphoreType.DMA,
      ],
      compiler_params=pltpu.CompilerParams(needs_layout_passes=False),
  )
  def k(stab_hbm, etab_hbm, idx_hbm, srows_o, erows_o, idx_v, sr_v, er_v,
        sem_s, sem_e):
    wid = lax.axis_index("s") * _NC + lax.axis_index("c")
    i0 = wid * _IPW
    pltpu.sync_copy(idx_hbm.at[pl.ds(i0, _IPW)], idx_v)
    cp_s = pltpu.async_copy(stab_hbm.at[idx_v], sr_v, sem_s)
    cp_e = pltpu.async_copy(etab_hbm.at[idx_v], er_v, sem_e)
    cp_s.wait()
    cp_e.wait()
    pltpu.sync_copy(sr_v, srows_o.at[pl.ds(i0, _IPW)])
    pltpu.sync_copy(er_v, erows_o.at[pl.ds(i0, _IPW)])

  return k(stab, etab, idx)


def _softplus(x):
  return jnp.maximum(x, 0.0) + jnp.log1p(jnp.exp(-jnp.abs(x)))


def _tc_loss_body(sel_ref, num_ref, col_ref, agg_ref, op_ref, srow_ref,
                  erow_ref, selt_ref, numt_ref, aggt_ref, colt_ref, opt_ref,
                  stt_ref, ett_ref, out_ref):
  sel = sel_ref[...]
  ci = lax.broadcasted_iota(jnp.int32, (_C, _B), 0)
  m = jnp.max(sel, axis=0, keepdims=True)
  lse = m + jnp.log(jnp.sum(jnp.exp(sel - m), axis=0, keepdims=True))
  picked = jnp.sum(jnp.where(ci == selt_ref[...], sel, 0.0), axis=0,
                   keepdims=True)
  loss = jnp.sum(lse - picked) * (1.0 / _B)
  amax = jnp.min(jnp.where(sel == m, ci, _C), axis=0, keepdims=True)

  agg = agg_ref[...]
  ci3 = lax.broadcasted_iota(jnp.int32, (_A, _C, _B), 1)
  arow = jnp.sum(jnp.where(ci3 == amax[None], agg, 0.0), axis=1)
  ai = lax.broadcasted_iota(jnp.int32, (_A, _B), 0)
  ma = jnp.max(arow, axis=0, keepdims=True)
  lsea = ma + jnp.log(jnp.sum(jnp.exp(arow - ma), axis=0, keepdims=True))
  pa = jnp.sum(jnp.where(ai == aggt_ref[...], arow, 0.0), axis=0,
               keepdims=True)
  loss = loss + jnp.sum(lsea - pa) * (1.0 / _B)

  num = num_ref[...]
  wi = lax.broadcasted_iota(jnp.int32, (_W, _B), 0)
  mn = jnp.max(num, axis=0, keepdims=True)
  lsen = mn + jnp.log(jnp.sum(jnp.exp(num - mn), axis=0, keepdims=True))
  pn = jnp.sum(jnp.where(wi == numt_ref[...], num, 0.0), axis=0,
               keepdims=True)
  loss = loss + jnp.sum(lsen - pn) * (1.0 / _B)

  colw = col_ref[...]
  t0 = colt_ref[0:1, :]
  t1 = colt_ref[1:2, :]
  h = (ci == t0) | (ci == t1)
  sp_pos = _softplus(colw)
  sp_neg = sp_pos - colw
  loss = loss + jnp.sum(jnp.where(h, 3.0 * sp_neg, sp_pos)) * (
      jnp.float32(_B) / _C)

  op = op_ref[...]
  ci3o = lax.broadcasted_iota(jnp.int32, (_C, _O, _B), 0)
  oi = lax.broadcasted_iota(jnp.int32, (_O, _B), 0)
  for kk in range(_K):
    ck = colt_ref[kk:kk + 1, :]
    orow = jnp.sum(jnp.where(ci3o == ck[:, None], op, 0.0), axis=0)
    mo = jnp.max(orow, axis=0, keepdims=True)
    lseo = mo + jnp.log(jnp.sum(jnp.exp(orow - mo), axis=0, keepdims=True))
    po = jnp.sum(jnp.where(oi == opt_ref[kk:kk + 1, :], orow, 0.0), axis=0,
                 keepdims=True)
    loss = loss + jnp.sum(lseo - po) * (1.0 / (_B * _K))

  jl = lax.broadcasted_iota(jnp.int32, (_B * _K, _L), 1)
  for rows_ref, tgt_ref in ((srow_ref, stt_ref), (erow_ref, ett_ref)):
    x = rows_ref[...]
    mr = jnp.max(x, axis=1, keepdims=True)
    lser = mr + jnp.log(jnp.sum(jnp.exp(x - mr), axis=1, keepdims=True))
    pr = jnp.sum(jnp.where(jl == tgt_ref[...], x, 0.0), axis=1,
                 keepdims=True)
    loss = loss + jnp.sum(lser - pr) * (1.0 / (_B * _K))

  out_ref[...] = jnp.reshape(loss, (1, 1))


def kernel(agg_logits, sel_logits, where_num_logits, where_col_logits,
           where_op_logits, where_start_logits, where_end_logits,
           agg_target, sel_target, where_num_target, where_col_target,
           where_op_target, where_start_target, where_end_target):
  i32 = jnp.int32
  colt_t = where_col_target.astype(i32).T
  idx = (colt_t * _B + jnp.arange(_B, dtype=i32)[None, :]).reshape(-1)

  srows, erows = _sc_gather_rows(
      where_start_logits.transpose(1, 0, 2).reshape(_C * _B, _L),
      where_end_logits.transpose(1, 0, 2).reshape(_C * _B, _L),
      idx)

  out = pl.pallas_call(
      _tc_loss_body,
      out_shape=jax.ShapeDtypeStruct((1, 1), jnp.float32),
  )(
      sel_logits.T,
      where_num_logits.T,
      where_col_logits.T,
      agg_logits.transpose(2, 1, 0),
      where_op_logits.transpose(1, 2, 0),
      srows,
      erows,
      sel_target.astype(i32).reshape(1, _B),
      where_num_target.astype(i32).reshape(1, _B),
      agg_target.astype(i32).reshape(1, _B),
      colt_t,
      where_op_target.astype(i32).T,
      where_start_target.astype(i32).T.reshape(_B * _K, 1),
      where_end_target.astype(i32).T.reshape(_B * _K, 1),
  )
  return out[0, 0]

# --- scband reference (transcript-rebuilt; emitter-appended) ---
"""Pipeline reference for scband-query-loss-71021579207321 (READ-ONLY COPY).

The authoritative reference and input builder live on the scoring server;
editing this copy changes nothing except your own understanding.
"""

import jax, jax.numpy as jnp
import numpy as np

B, C, A, W, O, L, K = 1024, 100, 6, 5, 4, 256, 2


def setup_inputs(seed: int = 0) -> dict:
    key = jax.random.key(seed)
    ks = jax.random.split(key, 14)
    return {
        "agg_logits": jax.random.normal(ks[0], (B, C, A), jnp.float32),
        "sel_logits": jax.random.normal(ks[1], (B, C), jnp.float32),
        "where_num_logits": jax.random.normal(ks[2], (B, W), jnp.float32),
        "where_col_logits": jax.random.normal(ks[3], (B, C), jnp.float32),
        "where_op_logits": jax.random.normal(ks[4], (B, C, O), jnp.float32),
        "where_start_logits": jax.random.normal(ks[5], (B, C, L), jnp.float32),
        "where_end_logits": jax.random.normal(ks[6], (B, C, L), jnp.float32),
        "agg_target": jax.random.randint(ks[7], (B,), 0, A),
        "sel_target": jax.random.randint(ks[8], (B,), 0, C),
        "where_num_target": jax.random.randint(ks[9], (B,), 0, W),
        "where_col_target": jax.random.randint(ks[10], (B, K), 0, C),
        "where_op_target": jax.random.randint(ks[11], (B, K), 0, O),
        "where_start_target": jax.random.randint(ks[12], (B, K), 0, L),
        "where_end_target": jax.random.randint(ks[13], (B, K), 0, L),
    }


def _ce(logits, target):
    lse = jax.nn.logsumexp(logits, axis=-1)
    picked = jnp.take_along_axis(logits, target[..., None], axis=-1)[..., 0]
    return jnp.mean(lse - picked)


def reference(agg_logits, sel_logits, where_num_logits, where_col_logits,
              where_op_logits, where_start_logits, where_end_logits,
              agg_target, sel_target, where_num_target, where_col_target,
              where_op_target, where_start_target, where_end_target):
    loss = jnp.float32(0.0)
    # sel cross entropy
    loss = loss + _ce(sel_logits, sel_target)
    # agg cross entropy on the argmax-selected column
    selected_col = jnp.argmax(sel_logits, axis=1)
    loss = loss + _ce(agg_logits[jnp.arange(B), selected_col], agg_target)
    # where-num cross entropy
    loss = loss + _ce(where_num_logits, where_num_target)
    # where-col BCE-with-logits, pos_weight=3; original double loop adds the
    # per-example sum B times (outer loop over b does not use b)
    one_hot = jnp.zeros((B, C), jnp.float32).at[jnp.arange(B)[:, None], where_col_target].set(1.0)
    pos_weight = 3.0
    log_sig = jax.nn.log_sigmoid(where_col_logits)
    log_sig_neg = jax.nn.log_sigmoid(-where_col_logits)
    bce_per_ex = -jnp.mean(pos_weight * one_hot * log_sig + (1.0 - one_hot) * log_sig_neg, axis=1)
    loss = loss + B * jnp.sum(bce_per_ex)
    # gather per-condition logits by where-column indices, then CE
    rows = jnp.arange(B)[:, None]
    op_logits = where_op_logits[rows, where_col_target].reshape(B * K, O)
    loss = loss + _ce(op_logits, where_op_target.reshape(B * K))
    start_logits = where_start_logits[rows, where_col_target].reshape(B * K, L)
    loss = loss + _ce(start_logits, where_start_target.reshape(B * K))
    end_logits = where_end_logits[rows, where_col_target].reshape(B * K, L)
    loss = loss + _ce(end_logits, where_end_target.reshape(B * K))
    return loss

if __name__ == "__main__":
    import jax
    _d = setup_inputs()
    print(jax.jit(kernel)(*tuple(_d.values())))

</pallas_src>

<mosaic_0001>
#map = affine_map<(d0, d1) -> (0, 0)>
#map1 = affine_map<(d0, d1) -> (0)>
module attributes {stable_mosaic.version = 14 : i64} {
  func.func @k(%arg0: i32, %arg1: i32, %arg2: memref<102400x256xf32, #tpu.memory_space<hbm>>, %arg3: memref<102400x256xf32, #tpu.memory_space<hbm>>, %arg4: memref<2048xi32, #tpu.memory_space<hbm>>, %arg5: memref<2048x256xf32, #tpu.memory_space<hbm>>, %arg6: memref<2048x256xf32, #tpu.memory_space<hbm>>, %arg7: memref<64xi32, #tpu.memory_space<vmem>>, %arg8: memref<64x256xf32, #tpu.memory_space<vmem>>, %arg9: memref<64x256xf32, #tpu.memory_space<vmem>>, %arg10: memref<!tpu.dma_semaphore, #tpu.memory_space<semaphore_mem>>, %arg11: memref<!tpu.dma_semaphore, #tpu.memory_space<semaphore_mem>>) attributes {dimension_semantics = [#tpu.dimension_semantics<core_parallel>, #tpu.dimension_semantics<subcore_parallel>], iteration_bounds = array<i64: 2, 16>, scalar_prefetch = 0 : i64, scratch_operands = 5 : i64, tpu.core_type = #tpu.core_type<sc_vector_subcore>, window_params = [{transform_indices = #map}, {transform_indices = #map}, {transform_indices = #map1}, {transform_indices = #map}, {transform_indices = #map}]} {
    %mul3A = arith.constant 2 : i32
    %mul3A_0 = arith.muli %arg1, %mul3A : i32
    %add3A = arith.addi %mul3A_0, %arg0 : i32
    %mul3A_1 = arith.constant 64 : i32
    %mul3A_2 = arith.muli %add3A, %mul3A_1 : i32
    "tpu.region"() ({
      %run_scoped3A = tpu.sem_alloc : memref<!tpu.dma_semaphore, #tpu.memory_space<semaphore_mem>>
      %dma_start3A_13 = tpu.memref_slice %arg4[%mul3A_2] : memref<2048xi32, #tpu.memory_space<hbm>> -> memref<64xi32, #tpu.memory_space<hbm>>
      %dma_start3A_14 = tpu.memref_slice %arg4[%mul3A_2] : memref<2048xi32, #tpu.memory_space<hbm>> -> memref<64xi32, #tpu.memory_space<hbm>>
      tpu.enqueue_dma source(%dma_start3A_14 : memref<64xi32, #tpu.memory_space<hbm>>) target(%arg7 : memref<64xi32, #tpu.memory_space<vmem>>) target_semaphore(%run_scoped3A : memref<!tpu.dma_semaphore, #tpu.memory_space<semaphore_mem>>)
      %dma_wait3A_15 = tpu.memref_slice %arg4[%mul3A_2] : memref<2048xi32, #tpu.memory_space<hbm>> -> memref<64xi32, #tpu.memory_space<hbm>>
      %dma_wait3A_16 = tpu.memref_slice %arg4[%mul3A_2] : memref<2048xi32, #tpu.memory_space<hbm>> -> memref<64xi32, #tpu.memory_space<hbm>>
      tpu.wait_dma2 semaphore(%run_scoped3A : memref<!tpu.dma_semaphore, #tpu.memory_space<semaphore_mem>>) src(%dma_wait3A_16 : memref<64xi32, #tpu.memory_space<hbm>>) dst(%arg7 : memref<64xi32, #tpu.memory_space<vmem>>)
      tpu.yield
    }) : () -> ()
    %dma_start3A = arith.constant 0 : i32
    %dma_start3A_3 = arith.constant 0 : i32
    %dma_start3A_4 = tpu.memref_slice %arg2[%dma_start3A, %dma_start3A_3] : memref<102400x256xf32, #tpu.memory_space<hbm>> -> memref<102400x256xf32, #tpu.memory_space<hbm>>
    tpu.enqueue_indirect_dma source(%dma_start3A_4 : memref<102400x256xf32, #tpu.memory_space<hbm>>) target(%arg8 : memref<64x256xf32, #tpu.memory_space<vmem>>) offsets(%arg7 : memref<64xi32, #tpu.memory_space<vmem>>) semaphore(%arg10 : memref<!tpu.dma_semaphore, #tpu.memory_space<semaphore_mem>>)
    %dma_start3A_5 = arith.constant 0 : i32
    %dma_start3A_6 = arith.constant 0 : i32
    %dma_start3A_7 = tpu.memref_slice %arg3[%dma_start3A_5, %dma_start3A_6] : memref<102400x256xf32, #tpu.memory_space<hbm>> -> memref<102400x256xf32, #tpu.memory_space<hbm>>
    tpu.enqueue_indirect_dma source(%dma_start3A_7 : memref<102400x256xf32, #tpu.memory_space<hbm>>) target(%arg9 : memref<64x256xf32, #tpu.memory_space<vmem>>) offsets(%arg7 : memref<64xi32, #tpu.memory_space<vmem>>) semaphore(%arg11 : memref<!tpu.dma_semaphore, #tpu.memory_space<semaphore_mem>>)
    %dma_wait3A = arith.constant 0 : i32
    %dma_wait3A_8 = arith.constant 0 : i32
    %dma_wait3A_9 = tpu.memref_slice %arg2[%dma_wait3A, %dma_wait3A_8] : memref<102400x256xf32, #tpu.memory_space<hbm>> -> memref<102400x256xf32, #tpu.memory_space<hbm>>
    tpu.wait_indirect_dma semaphore(%arg10 : memref<!tpu.dma_semaphore, #tpu.memory_space<semaphore_mem>>) src(%dma_wait3A_9 : memref<102400x256xf32, #tpu.memory_space<hbm>>) dst(%arg8 : memref<64x256xf32, #tpu.memory_space<vmem>>)
    %dma_wait3A_10 = arith.constant 0 : i32
    %dma_wait3A_11 = arith.constant 0 : i32
    %dma_wait3A_12 = tpu.memref_slice %arg3[%dma_wait3A_10, %dma_wait3A_11] : memref<102400x256xf32, #tpu.memory_space<hbm>> -> memref<102400x256xf32, #tpu.memory_space<hbm>>
    tpu.wait_indirect_dma semaphore(%arg11 : memref<!tpu.dma_semaphore, #tpu.memory_space<semaphore_mem>>) src(%dma_wait3A_12 : memref<102400x256xf32, #tpu.memory_space<hbm>>) dst(%arg9 : memref<64x256xf32, #tpu.memory_space<vmem>>)
    "tpu.region"() ({
      %run_scoped3A = tpu.sem_alloc : memref<!tpu.dma_semaphore, #tpu.memory_space<semaphore_mem>>
      %dma_start3A_13 = arith.constant 0 : i32
      %dma_start3A_14 = tpu.memref_slice %arg5[%mul3A_2, %dma_start3A_13] : memref<2048x256xf32, #tpu.memory_space<hbm>> -> memref<64x256xf32, #tpu.memory_space<hbm>>
      %dma_start3A_15 = arith.constant 0 : i32
      %dma_start3A_16 = tpu.memref_slice %arg5[%mul3A_2, %dma_start3A_15] : memref<2048x256xf32, #tpu.memory_space<hbm>> -> memref<64x256xf32, #tpu.memory_space<hbm>>
      tpu.enqueue_dma source(%arg8 : memref<64x256xf32, #tpu.memory_space<vmem>>) target(%dma_start3A_16 : memref<64x256xf32, #tpu.memory_space<hbm>>) target_semaphore(%run_scoped3A : memref<!tpu.dma_semaphore, #tpu.memory_space<semaphore_mem>>)
      %dma_wait3A_17 = arith.constant 0 : i32
      %dma_wait3A_18 = tpu.memref_slice %arg5[%mul3A_2, %dma_wait3A_17] : memref<2048x256xf32, #tpu.memory_space<hbm>> -> memref<64x256xf32, #tpu.memory_space<hbm>>
      %dma_wait3A_19 = arith.constant 0 : i32
      %dma_wait3A_20 = tpu.memref_slice %arg5[%mul3A_2, %dma_wait3A_19] : memref<2048x256xf32, #tpu.memory_space<hbm>> -> memref<64x256xf32, #tpu.memory_space<hbm>>
      tpu.wait_dma2 semaphore(%run_scoped3A : memref<!tpu.dma_semaphore, #tpu.memory_space<semaphore_mem>>) src(%arg8 : memref<64x256xf32, #tpu.memory_space<vmem>>) dst(%dma_wait3A_20 : memref<64x256xf32, #tpu.memory_space<hbm>>)
      tpu.yield
    }) : () -> ()
    "tpu.region"() ({
      %run_scoped3A = tpu.sem_alloc : memref<!tpu.dma_semaphore, #tpu.memory_space<semaphore_mem>>
      %dma_start3A_13 = arith.constant 0 : i32
      %dma_start3A_14 = tpu.memref_slice %arg6[%mul3A_2, %dma_start3A_13] : memref<2048x256xf32, #tpu.memory_space<hbm>> -> memref<64x256xf32, #tpu.memory_space<hbm>>
      %dma_start3A_15 = arith.constant 0 : i32
      %dma_start3A_16 = tpu.memref_slice %arg6[%mul3A_2, %dma_start3A_15] : memref<2048x256xf32, #tpu.memory_space<hbm>> -> memref<64x256xf32, #tpu.memory_space<hbm>>
      tpu.enqueue_dma source(%arg9 : memref<64x256xf32, #tpu.memory_space<vmem>>) target(%dma_start3A_16 : memref<64x256xf32, #tpu.memory_space<hbm>>) target_semaphore(%run_scoped3A : memref<!tpu.dma_semaphore, #tpu.memory_space<semaphore_mem>>)
      %dma_wait3A_17 = arith.constant 0 : i32
      %dma_wait3A_18 = tpu.memref_slice %arg6[%mul3A_2, %dma_wait3A_17] : memref<2048x256xf32, #tpu.memory_space<hbm>> -> memref<64x256xf32, #tpu.memory_space<hbm>>
      %dma_wait3A_19 = arith.constant 0 : i32
      %dma_wait3A_20 = tpu.memref_slice %arg6[%mul3A_2, %dma_wait3A_19] : memref<2048x256xf32, #tpu.memory_space<hbm>> -> memref<64x256xf32, #tpu.memory_space<hbm>>
      tpu.wait_dma2 semaphore(%run_scoped3A : memref<!tpu.dma_semaphore, #tpu.memory_space<semaphore_mem>>) src(%arg9 : memref<64x256xf32, #tpu.memory_space<vmem>>) dst(%dma_wait3A_20 : memref<64x256xf32, #tpu.memory_space<hbm>>)
      tpu.yield
    }) : () -> ()
    return
  }
}

module attributes {stable_mosaic.version = 14 : i64} {
  func.func @_tc_loss_body(%arg0: memref<100x1024xf32, #tpu.memory_space<vmem>>, %arg1: memref<5x1024xf32, #tpu.memory_space<vmem>>, %arg2: memref<100x1024xf32, #tpu.memory_space<vmem>>, %arg3: memref<6x100x1024xf32, #tpu.memory_space<vmem>>, %arg4: memref<100x4x1024xf32, #tpu.memory_space<vmem>>, %arg5: memref<2048x256xf32, #tpu.memory_space<vmem>>, %arg6: memref<2048x256xf32, #tpu.memory_space<vmem>>, %arg7: memref<1x1024xi32, #tpu.memory_space<vmem>>, %arg8: memref<1x1024xi32, #tpu.memory_space<vmem>>, %arg9: memref<1x1024xi32, #tpu.memory_space<vmem>>, %arg10: memref<2x1024xi32, #tpu.memory_space<vmem>>, %arg11: memref<2x1024xi32, #tpu.memory_space<vmem>>, %arg12: memref<2048x1xi32, #tpu.memory_space<vmem>>, %arg13: memref<2048x1xi32, #tpu.memory_space<vmem>>, %arg14: memref<1x1xf32, #tpu.memory_space<vmem>>) attributes {dimension_semantics = [], scalar_prefetch = 0 : i64, scratch_operands = 0 : i64, tpu.core_type = #tpu.core_type<tc>} {
    %get3A = arith.constant 0 : index
    %get3A_0 = arith.constant 0 : index
    %get3A_1 = vector.load %arg0[%get3A, %get3A_0] : memref<100x1024xf32, #tpu.memory_space<vmem>>, vector<100x1024xf32>
    %iota3A = tpu.iota {dimensions = array<i32: 0>} : vector<100x1024xi32>
    %reduce_max3A = arith.constant dense<0xFF800000> : vector<1024xf32>
    %reduce_max3A_2 = vector.multi_reduction <maximumf>, %get3A_1, %reduce_max3A [0] : vector<100x1024xf32> to vector<1024xf32>
    %broadcast_in_dim3A = vector.shape_cast %reduce_max3A_2 : vector<1024xf32> to vector<1x1024xf32>
    %sub3A = vector.broadcast %broadcast_in_dim3A : vector<1x1024xf32> to vector<100x1024xf32>
    %sub3A_3 = arith.subf %get3A_1, %sub3A : vector<100x1024xf32>
    %exp3A = math.exp %sub3A_3 : vector<100x1024xf32>
    %reduce_sum3A = arith.constant dense<0.000000e+00> : vector<1024xf32>
    %reduce_sum3A_4 = vector.multi_reduction <add>, %exp3A, %reduce_sum3A [0] : vector<100x1024xf32> to vector<1024xf32>
    %broadcast_in_dim3A_5 = vector.shape_cast %reduce_sum3A_4 : vector<1024xf32> to vector<1x1024xf32>
    %log3A = math.log %broadcast_in_dim3A_5 : vector<1x1024xf32>
    %add3A = arith.addf %broadcast_in_dim3A, %log3A : vector<1x1024xf32>
    %get3A_6 = arith.constant 0 : index
    %get3A_7 = arith.constant 0 : index
    %get3A_8 = vector.load %arg7[%get3A_6, %get3A_7] : memref<1x1024xi32, #tpu.memory_space<vmem>>, vector<1x1024xi32>
    %eq3A = vector.broadcast %get3A_8 : vector<1x1024xi32> to vector<100x1024xi32>
    %eq3A_9 = arith.cmpi eq, %iota3A, %eq3A : vector<100x1024xi32>
    %jit3A = arith.constant 0.000000e+00 : f32
    %broadcast_in_dim3A_10 = vector.broadcast %jit3A : f32 to vector<100x1024xf32>
    %select_n3A = arith.select %eq3A_9, %get3A_1, %broadcast_in_dim3A_10 : vector<100x1024xi1>, vector<100x1024xf32>
    %reduce_sum3A_11 = arith.constant dense<0.000000e+00> : vector<1024xf32>
    %reduce_sum3A_12 = vector.multi_reduction <add>, %select_n3A, %reduce_sum3A_11 [0] : vector<100x1024xf32> to vector<1024xf32>
    %broadcast_in_dim3A_13 = vector.shape_cast %reduce_sum3A_12 : vector<1024xf32> to vector<1x1024xf32>
    %sub3A_14 = arith.subf %add3A, %broadcast_in_dim3A_13 : vector<1x1024xf32>
    %reduce_sum3A_15 = vector.shape_cast %sub3A_14 : vector<1x1024xf32> to vector<1x1x1024xf32>
    %reduce_sum3A_16 = arith.constant dense<0.000000e+00> : vector<1xf32>
    %reduce_sum3A_17 = vector.multi_reduction <add>, %reduce_sum3A_15, %reduce_sum3A_16 [1, 2] : vector<1x1x1024xf32> to vector<1xf32>
    %reduce_sum3A_18 = vector.shape_cast %reduce_sum3A_17 : vector<1xf32> to vector<1x1x1xf32>
    %reduce_sum3A_19 = vector.extract %reduce_sum3A_18[0, 0, 0] : f32 from vector<1x1x1xf32>
    %mul3A = arith.constant 9.765625E-4 : f32
    %mul3A_20 = arith.mulf %reduce_sum3A_19, %mul3A : f32
    %eq3A_21 = vector.broadcast %broadcast_in_dim3A : vector<1x1024xf32> to vector<100x1024xf32>
    %eq3A_22 = arith.cmpf oeq, %get3A_1, %eq3A_21 : vector<100x1024xf32>
    %jit3A_23 = arith.constant 100 : i32
    %broadcast_in_dim3A_24 = vector.broadcast %jit3A_23 : i32 to vector<100x1024xi32>
    %select_n3A_25 = arith.select %eq3A_22, %iota3A, %broadcast_in_dim3A_24 : vector<100x1024xi1>, vector<100x1024xi32>
    %reduce_min3A = arith.constant dense<2147483647> : vector<1024xi32>
    %reduce_min3A_26 = vector.multi_reduction <minsi>, %select_n3A_25, %reduce_min3A [0] : vector<100x1024xi32> to vector<1024xi32>
    %broadcast_in_dim3A_27 = vector.shape_cast %reduce_min3A_26 : vector<1024xi32> to vector<1x1024xi32>
    %get3A_28 = arith.constant 0 : index
    %get3A_29 = arith.constant 0 : index
    %get3A_30 = arith.constant 0 : index
    %get3A_31 = vector.load %arg3[%get3A_28, %get3A_29, %get3A_30] : memref<6x100x1024xf32, #tpu.memory_space<vmem>>, vector<6x100x1024xf32>
    %iota3A_32 = tpu.iota {dimensions = array<i32: 1>} : vector<6x100x1024xi32>
    %broadcast_in_dim3A_33 = vector.shape_cast %broadcast_in_dim3A_27 : vector<1x1024xi32> to vector<1x1x1024xi32>
    %eq3A_34 = vector.broadcast %broadcast_in_dim3A_33 : vector<1x1x1024xi32> to vector<6x100x1024xi32>
    %eq3A_35 = arith.cmpi eq, %iota3A_32, %eq3A_34 : vector<6x100x1024xi32>
    %jit3A_36 = arith.constant 0.000000e+00 : f32
    %broadcast_in_dim3A_37 = vector.broadcast %jit3A_36 : f32 to vector<6x100x1024xf32>
    %select_n3A_38 = arith.select %eq3A_35, %get3A_31, %broadcast_in_dim3A_37 : vector<6x100x1024xi1>, vector<6x100x1024xf32>
    %reduce_sum3A_39 = arith.constant dense<0.000000e+00> : vector<6x1024xf32>
    %reduce_sum3A_40 = vector.multi_reduction <add>, %select_n3A_38, %reduce_sum3A_39 [1] : vector<6x100x1024xf32> to vector<6x1024xf32>
    %iota3A_41 = tpu.iota {dimensions = array<i32: 0>} : vector<6x1024xi32>
    %reduce_max3A_42 = arith.constant dense<0xFF800000> : vector<1024xf32>
    %reduce_max3A_43 = vector.multi_reduction <maximumf>, %reduce_sum3A_40, %reduce_max3A_42 [0] : vector<6x1024xf32> to vector<1024xf32>
    %broadcast_in_dim3A_44 = vector.shape_cast %reduce_max3A_43 : vector<1024xf32> to vector<1x1024xf32>
    %sub3A_45 = vector.broadcast %broadcast_in_dim3A_44 : vector<1x1024xf32> to vector<6x1024xf32>
    %sub3A_46 = arith.subf %reduce_sum3A_40, %sub3A_45 : vector<6x1024xf32>
    %exp3A_47 = math.exp %sub3A_46 : vector<6x1024xf32>
    %reduce_sum3A_48 = arith.constant dense<0.000000e+00> : vector<1024xf32>
    %reduce_sum3A_49 = vector.multi_reduction <add>, %exp3A_47, %reduce_sum3A_48 [0] : vector<6x1024xf32> to vector<1024xf32>
    %broadcast_in_dim3A_50 = vector.shape_cast %reduce_sum3A_49 : vector<1024xf32> to vector<1x1024xf32>
    %log3A_51 = math.log %broadcast_in_dim3A_50 : vector<1x1024xf32>
    %add3A_52 = arith.addf %broadcast_in_dim3A_44, %log3A_51 : vector<1x1024xf32>
    %get3A_53 = arith.constant 0 : index
    %get3A_54 = arith.constant 0 : index
    %get3A_55 = vector.load %arg9[%get3A_53, %get3A_54] : memref<1x1024xi32, #tpu.memory_space<vmem>>, vector<1x1024xi32>
    %eq3A_56 = vector.broadcast %get3A_55 : vector<1x1024xi32> to vector<6x1024xi32>
    %eq3A_57 = arith.cmpi eq, %iota3A_41, %eq3A_56 : vector<6x1024xi32>
    %jit3A_58 = arith.constant 0.000000e+00 : f32
    %broadcast_in_dim3A_59 = vector.broadcast %jit3A_58 : f32 to vector<6x1024xf32>
    %select_n3A_60 = arith.select %eq3A_57, %reduce_sum3A_40, %broadcast_in_dim3A_59 : vector<6x1024xi1>, vector<6x1024xf32>
    %reduce_sum3A_61 = arith.constant dense<0.000000e+00> : vector<1024xf32>
    %reduce_sum3A_62 = vector.multi_reduction <add>, %select_n3A_60, %reduce_sum3A_61 [0] : vector<6x1024xf32> to vector<1024xf32>
    %broadcast_in_dim3A_63 = vector.shape_cast %reduce_sum3A_62 : vector<1024xf32> to vector<1x1024xf32>
    %sub3A_64 = arith.subf %add3A_52, %broadcast_in_dim3A_63 : vector<1x1024xf32>
    %reduce_sum3A_65 = vector.shape_cast %sub3A_64 : vector<1x1024xf32> to vector<1x1x1024xf32>
    %reduce_sum3A_66 = arith.constant dense<0.000000e+00> : vector<1xf32>
    %reduce_sum3A_67 = vector.multi_reduction <add>, %reduce_sum3A_65, %reduce_sum3A_66 [1, 2] : vector<1x1x1024xf32> to vector<1xf32>
    %reduce_sum3A_68 = vector.shape_cast %reduce_sum3A_67 : vector<1xf32> to vector<1x1x1xf32>
    %reduce_sum3A_69 = vector.extract %reduce_sum3A_68[0, 0, 0] : f32 from vector<1x1x1xf32>
    %mul3A_70 = arith.constant 9.765625E-4 : f32
    %mul3A_71 = arith.mulf %reduce_sum3A_69, %mul3A_70 : f32
    %add3A_72 = arith.addf %mul3A_20, %mul3A_71 : f32
    %get3A_73 = arith.constant 0 : index
    %get3A_74 = arith.constant 0 : index
    %get3A_75 = vector.load %arg1[%get3A_73, %get3A_74] : memref<5x1024xf32, #tpu.memory_space<vmem>>, vector<5x1024xf32>
    %iota3A_76 = tpu.iota {dimensions = array<i32: 0>} : vector<5x1024xi32>
    %reduce_max3A_77 = arith.constant dense<0xFF800000> : vector<1024xf32>
    %reduce_max3A_78 = vector.multi_reduction <maximumf>, %get3A_75, %reduce_max3A_77 [0] : vector<5x1024xf32> to vector<1024xf32>
    %broadcast_in_dim3A_79 = vector.shape_cast %reduce_max3A_78 : vector<1024xf32> to vector<1x1024xf32>
    %sub3A_80 = vector.broadcast %broadcast_in_dim3A_79 : vector<1x1024xf32> to vector<5x1024xf32>
    %sub3A_81 = arith.subf %get3A_75, %sub3A_80 : vector<5x1024xf32>
    %exp3A_82 = math.exp %sub3A_81 : vector<5x1024xf32>
    %reduce_sum3A_83 = arith.constant dense<0.000000e+00> : vector<1024xf32>
    %reduce_sum3A_84 = vector.multi_reduction <add>, %exp3A_82, %reduce_sum3A_83 [0] : vector<5x1024xf32> to vector<1024xf32>
    %broadcast_in_dim3A_85 = vector.shape_cast %reduce_sum3A_84 : vector<1024xf32> to vector<1x1024xf32>
    %log3A_86 = math.log %broadcast_in_dim3A_85 : vector<1x1024xf32>
    %add3A_87 = arith.addf %broadcast_in_dim3A_79, %log3A_86 : vector<1x1024xf32>
    %get3A_88 = arith.constant 0 : index
    %get3A_89 = arith.constant 0 : index
    %get3A_90 = vector.load %arg8[%get3A_88, %get3A_89] : memref<1x1024xi32, #tpu.memory_space<vmem>>, vector<1x1024xi32>
    %eq3A_91 = vector.broadcast %get3A_90 : vector<1x1024xi32> to vector<5x1024xi32>
    %eq3A_92 = arith.cmpi eq, %iota3A_76, %eq3A_91 : vector<5x1024xi32>
    %jit3A_93 = arith.constant 0.000000e+00 : f32
    %broadcast_in_dim3A_94 = vector.broadcast %jit3A_93 : f32 to vector<5x1024xf32>
    %select_n3A_95 = arith.select %eq3A_92, %get3A_75, %broadcast_in_dim3A_94 : vector<5x1024xi1>, vector<5x1024xf32>
    %reduce_sum3A_96 = arith.constant dense<0.000000e+00> : vector<1024xf32>
    %reduce_sum3A_97 = vector.multi_reduction <add>, %select_n3A_95, %reduce_sum3A_96 [0] : vector<5x1024xf32> to vector<1024xf32>
    %broadcast_in_dim3A_98 = vector.shape_cast %reduce_sum3A_97 : vector<1024xf32> to vector<1x1024xf32>
    %sub3A_99 = arith.subf %add3A_87, %broadcast_in_dim3A_98 : vector<1x1024xf32>
    %reduce_sum3A_100 = vector.shape_cast %sub3A_99 : vector<1x1024xf32> to vector<1x1x1024xf32>
    %reduce_sum3A_101 = arith.constant dense<0.000000e+00> : vector<1xf32>
    %reduce_sum3A_102 = vector.multi_reduction <add>, %reduce_sum3A_100, %reduce_sum3A_101 [1, 2] : vector<1x1x1024xf32> to vector<1xf32>
    %reduce_sum3A_103 = vector.shape_cast %reduce_sum3A_102 : vector<1xf32> to vector<1x1x1xf32>
    %reduce_sum3A_104 = vector.extract %reduce_sum3A_103[0, 0, 0] : f32 from vector<1x1x1xf32>
    %mul3A_105 = arith.constant 9.765625E-4 : f32
    %mul3A_106 = arith.mulf %reduce_sum3A_104, %mul3A_105 : f32
    %add3A_107 = arith.addf %add3A_72, %mul3A_106 : f32
    %get3A_108 = arith.constant 0 : index
    %get3A_109 = arith.constant 0 : index
    %get3A_110 = vector.load %arg2[%get3A_108, %get3A_109] : memref<100x1024xf32, #tpu.memory_space<vmem>>, vector<100x1024xf32>
    %get3A_111 = arith.constant 0 : index
    %get3A_112 = arith.constant 0 : index
    %get3A_113 = vector.load %arg10[%get3A_111, %get3A_112] : memref<2x1024xi32, #tpu.memory_space<vmem>>, vector<1x1024xi32>
    %get3A_114 = arith.constant 1 : index
    %get3A_115 = arith.constant 0 : index
    %get3A_116 = vector.load %arg10[%get3A_114, %get3A_115] : memref<2x1024xi32, #tpu.memory_space<vmem>>, vector<1x1024xi32>
    %eq3A_117 = vector.broadcast %get3A_113 : vector<1x1024xi32> to vector<100x1024xi32>
    %eq3A_118 = arith.cmpi eq, %iota3A, %eq3A_117 : vector<100x1024xi32>
    %eq3A_119 = vector.broadcast %get3A_116 : vector<1x1024xi32> to vector<100x1024xi32>
    %eq3A_120 = arith.cmpi eq, %iota3A, %eq3A_119 : vector<100x1024xi32>
    %or3A = arith.ori %eq3A_118, %eq3A_120 : vector<100x1024xi1>
    %max3A = arith.constant 0.000000e+00 : f32
    %max3A_121 = vector.broadcast %max3A : f32 to vector<100x1024xf32>
    %max3A_122 = arith.maximumf %get3A_110, %max3A_121 : vector<100x1024xf32>
    %abs3A = math.absf %get3A_110 : vector<100x1024xf32>
    %neg3A = arith.constant 0.000000e+00 : f32
    %neg3A_123 = vector.broadcast %neg3A : f32 to vector<100x1024xf32>
    %neg3A_124 = arith.subf %neg3A_123, %abs3A : vector<100x1024xf32>
    %exp3A_125 = math.exp %neg3A_124 : vector<100x1024xf32>
    %log1p3A = math.log1p %exp3A_125 : vector<100x1024xf32>
    %add3A_126 = arith.addf %max3A_122, %log1p3A : vector<100x1024xf32>
    %sub3A_127 = arith.subf %add3A_126, %get3A_110 : vector<100x1024xf32>
    %mul3A_128 = arith.constant 3.000000e+00 : f32
    %mul3A_129 = vector.broadcast %mul3A_128 : f32 to vector<100x1024xf32>
    %mul3A_130 = arith.mulf %mul3A_129, %sub3A_127 : vector<100x1024xf32>
    %select_n3A_131 = arith.select %or3A, %mul3A_130, %add3A_126 : vector<100x1024xi1>, vector<100x1024xf32>
    %reduce_sum3A_132 = vector.shape_cast %select_n3A_131 : vector<100x1024xf32> to vector<1x100x1024xf32>
    %reduce_sum3A_133 = arith.constant dense<0.000000e+00> : vector<1xf32>
    %reduce_sum3A_134 = vector.multi_reduction <add>, %reduce_sum3A_132, %reduce_sum3A_133 [1, 2] : vector<1x100x1024xf32> to vector<1xf32>
    %reduce_sum3A_135 = vector.shape_cast %reduce_sum3A_134 : vector<1xf32> to vector<1x1x1xf32>
    %reduce_sum3A_136 = vector.extract %reduce_sum3A_135[0, 0, 0] : f32 from vector<1x1x1xf32>
    %div3A = arith.constant 1.024000e+03 : f32
    %div3A_137 = arith.constant 1.000000e+02 : f32
    %div3A_138 = arith.divf %div3A, %div3A_137 : f32
    %mul3A_139 = arith.mulf %reduce_sum3A_136, %div3A_138 : f32
    %add3A_140 = arith.addf %add3A_107, %mul3A_139 : f32
    %get3A_141 = arith.constant 0 : index
    %get3A_142 = arith.constant 0 : index
    %get3A_143 = arith.constant 0 : index
    %get3A_144 = vector.load %arg4[%get3A_141, %get3A_142, %get3A_143] : memref<100x4x1024xf32, #tpu.memory_space<vmem>>, vector<100x4x1024xf32>
    %iota3A_145 = tpu.iota {dimensions = array<i32: 0>} : vector<100x4x1024xi32>
    %iota3A_146 = tpu.iota {dimensions = array<i32: 0>} : vector<4x1024xi32>
    %get3A_147 = arith.constant 0 : index
    %get3A_148 = arith.constant 0 : index
    %get3A_149 = vector.load %arg10[%get3A_147, %get3A_148] : memref<2x1024xi32, #tpu.memory_space<vmem>>, vector<1x1024xi32>
    %broadcast_in_dim3A_150 = vector.shape_cast %get3A_149 : vector<1x1024xi32> to vector<1x1x1024xi32>
    %eq3A_151 = vector.broadcast %broadcast_in_dim3A_150 : vector<1x1x1024xi32> to vector<100x4x1024xi32>
    %eq3A_152 = arith.cmpi eq, %iota3A_145, %eq3A_151 : vector<100x4x1024xi32>
    %jit3A_153 = arith.constant 0.000000e+00 : f32
    %broadcast_in_dim3A_154 = vector.broadcast %jit3A_153 : f32 to vector<100x4x1024xf32>
    %select_n3A_155 = arith.select %eq3A_152, %get3A_144, %broadcast_in_dim3A_154 : vector<100x4x1024xi1>, vector<100x4x1024xf32>
    %reduce_sum3A_156 = arith.constant dense<0.000000e+00> : vector<4x1024xf32>
    %reduce_sum3A_157 = vector.multi_reduction <add>, %select_n3A_155, %reduce_sum3A_156 [0] : vector<100x4x1024xf32> to vector<4x1024xf32>
    %reduce_max3A_158 = arith.constant dense<0xFF800000> : vector<1024xf32>
    %reduce_max3A_159 = vector.multi_reduction <maximumf>, %reduce_sum3A_157, %reduce_max3A_158 [0] : vector<4x1024xf32> to vector<1024xf32>
    %broadcast_in_dim3A_160 = vector.shape_cast %reduce_max3A_159 : vector<1024xf32> to vector<1x1024xf32>
    %sub3A_161 = vector.broadcast %broadcast_in_dim3A_160 : vector<1x1024xf32> to vector<4x1024xf32>
    %sub3A_162 = arith.subf %reduce_sum3A_157, %sub3A_161 : vector<4x1024xf32>
    %exp3A_163 = math.exp %sub3A_162 : vector<4x1024xf32>
    %reduce_sum3A_164 = arith.constant dense<0.000000e+00> : vector<1024xf32>
    %reduce_sum3A_165 = vector.multi_reduction <add>, %exp3A_163, %reduce_sum3A_164 [0] : vector<4x1024xf32> to vector<1024xf32>
    %broadcast_in_dim3A_166 = vector.shape_cast %reduce_sum3A_165 : vector<1024xf32> to vector<1x1024xf32>
    %log3A_167 = math.log %broadcast_in_dim3A_166 : vector<1x1024xf32>
    %add3A_168 = arith.addf %broadcast_in_dim3A_160, %log3A_167 : vector<1x1024xf32>
    %get3A_169 = arith.constant 0 : index
    %get3A_170 = arith.constant 0 : index
    %get3A_171 = vector.load %arg11[%get3A_169, %get3A_170] : memref<2x1024xi32, #tpu.memory_space<vmem>>, vector<1x1024xi32>
    %eq3A_172 = vector.broadcast %get3A_171 : vector<1x1024xi32> to vector<4x1024xi32>
    %eq3A_173 = arith.cmpi eq, %iota3A_146, %eq3A_172 : vector<4x1024xi32>
    %jit3A_174 = arith.constant 0.000000e+00 : f32
    %broadcast_in_dim3A_175 = vector.broadcast %jit3A_174 : f32 to vector<4x1024xf32>
    %select_n3A_176 = arith.select %eq3A_173, %reduce_sum3A_157, %broadcast_in_dim3A_175 : vector<4x1024xi1>, vector<4x1024xf32>
    %reduce_sum3A_177 = arith.constant dense<0.000000e+00> : vector<1024xf32>
    %reduce_sum3A_178 = vector.multi_reduction <add>, %select_n3A_176, %reduce_sum3A_177 [0] : vector<4x1024xf32> to vector<1024xf32>
    %broadcast_in_dim3A_179 = vector.shape_cast %reduce_sum3A_178 : vector<1024xf32> to vector<1x1024xf32>
    %sub3A_180 = arith.subf %add3A_168, %broadcast_in_dim3A_179 : vector<1x1024xf32>
    %reduce_sum3A_181 = vector.shape_cast %sub3A_180 : vector<1x1024xf32> to vector<1x1x1024xf32>
    %reduce_sum3A_182 = arith.constant dense<0.000000e+00> : vector<1xf32>
    %reduce_sum3A_183 = vector.multi_reduction <add>, %reduce_sum3A_181, %reduce_sum3A_182 [1, 2] : vector<1x1x1024xf32> to vector<1xf32>
    %reduce_sum3A_184 = vector.shape_cast %reduce_sum3A_183 : vector<1xf32> to vector<1x1x1xf32>
    %reduce_sum3A_185 = vector.extract %reduce_sum3A_184[0, 0, 0] : f32 from vector<1x1x1xf32>
    %mul3A_186 = arith.constant 4.8828125E-4 : f32
    %mul3A_187 = arith.mulf %reduce_sum3A_185, %mul3A_186 : f32
    %add3A_188 = arith.addf %add3A_140, %mul3A_187 : f32
    %get3A_189 = arith.constant 1 : index
    %get3A_190 = arith.constant 0 : index
    %get3A_191 = vector.load %arg10[%get3A_189, %get3A_190] : memref<2x1024xi32, #tpu.memory_space<vmem>>, vector<1x1024xi32>
    %broadcast_in_dim3A_192 = vector.shape_cast %get3A_191 : vector<1x1024xi32> to vector<1x1x1024xi32>
    %eq3A_193 = vector.broadcast %broadcast_in_dim3A_192 : vector<1x1x1024xi32> to vector<100x4x1024xi32>
    %eq3A_194 = arith.cmpi eq, %iota3A_145, %eq3A_193 : vector<100x4x1024xi32>
    %jit3A_195 = arith.constant 0.000000e+00 : f32
    %broadcast_in_dim3A_196 = vector.broadcast %jit3A_195 : f32 to vector<100x4x1024xf32>
    %select_n3A_197 = arith.select %eq3A_194, %get3A_144, %broadcast_in_dim3A_196 : vector<100x4x1024xi1>, vector<100x4x1024xf32>
    %reduce_sum3A_198 = arith.constant dense<0.000000e+00> : vector<4x1024xf32>
    %reduce_sum3A_199 = vector.multi_reduction <add>, %select_n3A_197, %reduce_sum3A_198 [0] : vector<100x4x1024xf32> to vector<4x1024xf32>
    %reduce_max3A_200 = arith.constant dense<0xFF800000> : vector<1024xf32>
    %reduce_max3A_201 = vector.multi_reduction <maximumf>, %reduce_sum3A_199, %reduce_max3A_200 [0] : vector<4x1024xf32> to vector<1024xf32>
    %broadcast_in_dim3A_202 = vector.shape_cast %reduce_max3A_201 : vector<1024xf32> to vector<1x1024xf32>
    %sub3A_203 = vector.broadcast %broadcast_in_dim3A_202 : vector<1x1024xf32> to vector<4x1024xf32>
    %sub3A_204 = arith.subf %reduce_sum3A_199, %sub3A_203 : vector<4x1024xf32>
    %exp3A_205 = math.exp %sub3A_204 : vector<4x1024xf32>
    %reduce_sum3A_206 = arith.constant dense<0.000000e+00> : vector<1024xf32>
    %reduce_sum3A_207 = vector.multi_reduction <add>, %exp3A_205, %reduce_sum3A_206 [0] : vector<4x1024xf32> to vector<1024xf32>
    %broadcast_in_dim3A_208 = vector.shape_cast %reduce_sum3A_207 : vector<1024xf32> to vector<1x1024xf32>
    %log3A_209 = math.log %broadcast_in_dim3A_208 : vector<1x1024xf32>
    %add3A_210 = arith.addf %broadcast_in_dim3A_202, %log3A_209 : vector<1x1024xf32>
    %get3A_211 = arith.constant 1 : index
    %get3A_212 = arith.constant 0 : index
    %get3A_213 = vector.load %arg11[%get3A_211, %get3A_212] : memref<2x1024xi32, #tpu.memory_space<vmem>>, vector<1x1024xi32>
    %eq3A_214 = vector.broadcast %get3A_213 : vector<1x1024xi32> to vector<4x1024xi32>
    %eq3A_215 = arith.cmpi eq, %iota3A_146, %eq3A_214 : vector<4x1024xi32>
    %jit3A_216 = arith.constant 0.000000e+00 : f32
    %broadcast_in_dim3A_217 = vector.broadcast %jit3A_216 : f32 to vector<4x1024xf32>
    %select_n3A_218 = arith.select %eq3A_215, %reduce_sum3A_199, %broadcast_in_dim3A_217 : vector<4x1024xi1>, vector<4x1024xf32>
    %reduce_sum3A_219 = arith.constant dense<0.000000e+00> : vector<1024xf32>
    %reduce_sum3A_220 = vector.multi_reduction <add>, %select_n3A_218, %reduce_sum3A_219 [0] : vector<4x1024xf32> to vector<1024xf32>
    %broadcast_in_dim3A_221 = vector.shape_cast %reduce_sum3A_220 : vector<1024xf32> to vector<1x1024xf32>
    %sub3A_222 = arith.subf %add3A_210, %broadcast_in_dim3A_221 : vector<1x1024xf32>
    %reduce_sum3A_223 = vector.shape_cast %sub3A_222 : vector<1x1024xf32> to vector<1x1x1024xf32>
    %reduce_sum3A_224 = arith.constant dense<0.000000e+00> : vector<1xf32>
    %reduce_sum3A_225 = vector.multi_reduction <add>, %reduce_sum3A_223, %reduce_sum3A_224 [1, 2] : vector<1x1x1024xf32> to vector<1xf32>
    %reduce_sum3A_226 = vector.shape_cast %reduce_sum3A_225 : vector<1xf32> to vector<1x1x1xf32>
    %reduce_sum3A_227 = vector.extract %reduce_sum3A_226[0, 0, 0] : f32 from vector<1x1x1xf32>
    %mul3A_228 = arith.constant 4.8828125E-4 : f32
    %mul3A_229 = arith.mulf %reduce_sum3A_227, %mul3A_228 : f32
    %add3A_230 = arith.addf %add3A_188, %mul3A_229 : f32
    %iota3A_231 = tpu.iota {dimensions = array<i32: 1>} : vector<2048x256xi32>
    %get3A_232 = arith.constant 0 : index
    %get3A_233 = arith.constant 0 : index
    %get3A_234 = vector.load %arg5[%get3A_232, %get3A_233] : memref<2048x256xf32, #tpu.memory_space<vmem>>, vector<2048x256xf32>
    %reduce_max3A_235 = arith.constant dense<0xFF800000> : vector<2048xf32>
    %reduce_max3A_236 = vector.multi_reduction <maximumf>, %get3A_234, %reduce_max3A_235 [1] : vector<2048x256xf32> to vector<2048xf32>
    %broadcast_in_dim3A_237 = vector.shape_cast %reduce_max3A_236 : vector<2048xf32> to vector<2048x1xf32>
    %sub3A_238 = vector.broadcast %broadcast_in_dim3A_237 : vector<2048x1xf32> to vector<2048x256xf32>
    %sub3A_239 = arith.subf %get3A_234, %sub3A_238 : vector<2048x256xf32>
    %exp3A_240 = math.exp %sub3A_239 : vector<2048x256xf32>
    %reduce_sum3A_241 = arith.constant dense<0.000000e+00> : vector<2048xf32>
    %reduce_sum3A_242 = vector.multi_reduction <add>, %exp3A_240, %reduce_sum3A_241 [1] : vector<2048x256xf32> to vector<2048xf32>
    %broadcast_in_dim3A_243 = vector.shape_cast %reduce_sum3A_242 : vector<2048xf32> to vector<2048x1xf32>
    %log3A_244 = math.log %broadcast_in_dim3A_243 : vector<2048x1xf32>
    %add3A_245 = arith.addf %broadcast_in_dim3A_237, %log3A_244 : vector<2048x1xf32>
    %get3A_246 = arith.constant 0 : index
    %get3A_247 = arith.constant 0 : index
    %get3A_248 = vector.load %arg12[%get3A_246, %get3A_247] : memref<2048x1xi32, #tpu.memory_space<vmem>>, vector<2048x1xi32>
    %eq3A_249 = vector.broadcast %get3A_248 : vector<2048x1xi32> to vector<2048x256xi32>
    %eq3A_250 = arith.cmpi eq, %iota3A_231, %eq3A_249 : vector<2048x256xi32>
    %jit3A_251 = arith.constant 0.000000e+00 : f32
    %broadcast_in_dim3A_252 = vector.broadcast %jit3A_251 : f32 to vector<2048x256xf32>
    %select_n3A_253 = arith.select %eq3A_250, %get3A_234, %broadcast_in_dim3A_252 : vector<2048x256xi1>, vector<2048x256xf32>
    %reduce_sum3A_254 = arith.constant dense<0.000000e+00> : vector<2048xf32>
    %reduce_sum3A_255 = vector.multi_reduction <add>, %select_n3A_253, %reduce_sum3A_254 [1] : vector<2048x256xf32> to vector<2048xf32>
    %broadcast_in_dim3A_256 = vector.shape_cast %reduce_sum3A_255 : vector<2048xf32> to vector<2048x1xf32>
    %sub3A_257 = arith.subf %add3A_245, %broadcast_in_dim3A_256 : vector<2048x1xf32>
    %reduce_sum3A_258 = vector.shape_cast %sub3A_257 : vector<2048x1xf32> to vector<1x2048x1xf32>
    %reduce_sum3A_259 = arith.constant dense<0.000000e+00> : vector<1xf32>
    %reduce_sum3A_260 = vector.multi_reduction <add>, %reduce_sum3A_258, %reduce_sum3A_259 [1, 2] : vector<1x2048x1xf32> to vector<1xf32>
    %reduce_sum3A_261 = vector.shape_cast %reduce_sum3A_260 : vector<1xf32> to vector<1x1x1xf32>
    %reduce_sum3A_262 = vector.extract %reduce_sum3A_261[0, 0, 0] : f32 from vector<1x1x1xf32>
    %mul3A_263 = arith.constant 4.8828125E-4 : f32
    %mul3A_264 = arith.mulf %reduce_sum3A_262, %mul3A_263 : f32
    %add3A_265 = arith.addf %add3A_230, %mul3A_264 : f32
    %get3A_266 = arith.constant 0 : index
    %get3A_267 = arith.constant 0 : index
    %get3A_268 = vector.load %arg6[%get3A_266, %get3A_267] : memref<2048x256xf32, #tpu.memory_space<vmem>>, vector<2048x256xf32>
    %reduce_max3A_269 = arith.constant dense<0xFF800000> : vector<2048xf32>
    %reduce_max3A_270 = vector.multi_reduction <maximumf>, %get3A_268, %reduce_max3A_269 [1] : vector<2048x256xf32> to vector<2048xf32>
    %broadcast_in_dim3A_271 = vector.shape_cast %reduce_max3A_270 : vector<2048xf32> to vector<2048x1xf32>
    %sub3A_272 = vector.broadcast %broadcast_in_dim3A_271 : vector<2048x1xf32> to vector<2048x256xf32>
    %sub3A_273 = arith.subf %get3A_268, %sub3A_272 : vector<2048x256xf32>
    %exp3A_274 = math.exp %sub3A_273 : vector<2048x256xf32>
    %reduce_sum3A_275 = arith.constant dense<0.000000e+00> : vector<2048xf32>
    %reduce_sum3A_276 = vector.multi_reduction <add>, %exp3A_274, %reduce_sum3A_275 [1] : vector<2048x256xf32> to vector<2048xf32>
    %broadcast_in_dim3A_277 = vector.shape_cast %reduce_sum3A_276 : vector<2048xf32> to vector<2048x1xf32>
    %log3A_278 = math.log %broadcast_in_dim3A_277 : vector<2048x1xf32>
    %add3A_279 = arith.addf %broadcast_in_dim3A_271, %log3A_278 : vector<2048x1xf32>
    %get3A_280 = arith.constant 0 : index
    %get3A_281 = arith.constant 0 : index
    %get3A_282 = vector.load %arg13[%get3A_280, %get3A_281] : memref<2048x1xi32, #tpu.memory_space<vmem>>, vector<2048x1xi32>
    %eq3A_283 = vector.broadcast %get3A_282 : vector<2048x1xi32> to vector<2048x256xi32>
    %eq3A_284 = arith.cmpi eq, %iota3A_231, %eq3A_283 : vector<2048x256xi32>
    %jit3A_285 = arith.constant 0.000000e+00 : f32
    %broadcast_in_dim3A_286 = vector.broadcast %jit3A_285 : f32 to vector<2048x256xf32>
    %select_n3A_287 = arith.select %eq3A_284, %get3A_268, %broadcast_in_dim3A_286 : vector<2048x256xi1>, vector<2048x256xf32>
    %reduce_sum3A_288 = arith.constant dense<0.000000e+00> : vector<2048xf32>
    %reduce_sum3A_289 = vector.multi_reduction <add>, %select_n3A_287, %reduce_sum3A_288 [1] : vector<2048x256xf32> to vector<2048xf32>
    %broadcast_in_dim3A_290 = vector.shape_cast %reduce_sum3A_289 : vector<2048xf32> to vector<2048x1xf32>
    %sub3A_291 = arith.subf %add3A_279, %broadcast_in_dim3A_290 : vector<2048x1xf32>
    %reduce_sum3A_292 = vector.shape_cast %sub3A_291 : vector<2048x1xf32> to vector<1x2048x1xf32>
    %reduce_sum3A_293 = arith.constant dense<0.000000e+00> : vector<1xf32>
    %reduce_sum3A_294 = vector.multi_reduction <add>, %reduce_sum3A_292, %reduce_sum3A_293 [1, 2] : vector<1x2048x1xf32> to vector<1xf32>
    %reduce_sum3A_295 = vector.shape_cast %reduce_sum3A_294 : vector<1xf32> to vector<1x1x1xf32>
    %reduce_sum3A_296 = vector.extract %reduce_sum3A_295[0, 0, 0] : f32 from vector<1x1x1xf32>
    %mul3A_297 = arith.constant 4.8828125E-4 : f32
    %mul3A_298 = arith.mulf %reduce_sum3A_296, %mul3A_297 : f32
    %add3A_299 = arith.addf %add3A_265, %mul3A_298 : f32
    %reshape3A = vector.broadcast %add3A_299 : f32 to vector<1x1xf32>
    %swap3A = arith.constant 0 : index
    %swap3A_300 = arith.constant 0 : index
    %swap3A_301 = vector.load %arg14[%swap3A, %swap3A_300] : memref<1x1xf32, #tpu.memory_space<vmem>>, vector<1x1xf32>
    tpu.vector_store %arg14[%swap3A, %swap3A_300], %reshape3A {strides = array<i32>} : memref<1x1xf32, #tpu.memory_space<vmem>>, vector<1x1xf32>,
    return
  }
}

</mosaic_0001>

<sc_bundles>
// kernel: kernel.4.cloned.1.call-start
scs
__scs_entry_jumppad:
0x0: {  	(pc) =	sbr.rel $0x88, $3  }
0x1: {  	(tag) =	ssettag $0x0;
	lr =	simm.s32 $0x1  }
0x2: {  	[smem:$0x3F93] =	sst lr;
	_ =	strace $0xD0000000  }
0x3: {  	_ = 	snop  }
0x4: {  	_ = 	snop  }
0x5: {  	_ = 	snop  }
0x6: {  	_ = 	snop  }
0x7: {  	_ = 	snop  }
__scs_overlays_trampoline_lowered:
0x8: {  	[smem:$0x3FA2] =	sst s0  }
0x9: {  	[smem:$0x3FA3] =	sst s1  }
0xa: {  	[smem:$0x3FA4] =	sst s2  }
0xb: {  	[smem:$0x3FA5] =	sst s3  }
0xc: {  	[smem:$0x3FA6] =	sst s4  }
0xd: {  	[smem:$0x3FA7] =	sst s5  }
0xe: {  	[smem:$0x3FA8] =	sst s6  }
0xf: {  	[smem:$0x3FA9] =	sst s7  }
0x10: {  	[smem:$0x3FAA] =	sst s8  }
0x11: {  	[smem:$0x3FAB] =	sst s9;
	s0 =	simm.s32 @!p0 $0x0  }
0x12: {  	s1 =	sld [smem:$0x3F91];
	s0 =	simm.s32 @p0 $0x1  }
0x13: {  	[smem:$0x3FAC] =	sst s0;
	s0 =	simm.s32 @!p1 $0x0  }
0x14: {  	s2 =	sld [smem:$0x3F90];
	s0 =	simm.s32 @p1 $0x1  }
0x15: {  	[smem:$0x3FAD] =	sst s0;
	s0 =	simm.s32 @!p2 $0x0  }
0x16: {  	s3 =	sld [smem:$0x3FDB];
	s0 =	simm.s32 @p2 $0x1  }
0x17: {  	s4 =	simm.s32 $0x1BF5;
	[smem:$0x3FAF] =	sst s0  }
0x18: {  	s0 =	sld [smem:$0x3F92];
	_ =	swait.ge [sflag:s4], $0x0  }
0x19: {  	s7 =	sld [smem:$0x3F93]  }
0x1a: {  	s8 =	sadd.s32 $0xFFFFE003, lr  }
0x1b: {  	s9 =	sadd.s32 $0xFFFFFEF7, lr;
	s5 =	simm.s32 $0xFFFFFFFF;
	p2 =	slt.u32 s8, $0xFFFFF086  }
0x1c: {  	p1 =	slt.u32 s9, $0xF7A;
	s5 =	simm.s32 @!p2 $0x0  }
0x1d: {  	s5 =	simm.s32 @p1 $0x1;
	p0 =	seq.s32 s7, s2  }
0x1e: {  	s7 =	smul.u32 @!p0 $0xF7A, s2;
	p2 =	seq.s32 @!p0 s5, $0x0  }
0x1f: {  	s9 =	smul.u32 $0xF7A, s1;
	s8 =	simm.s32 @!p0 $0x1BF5;
	p2 =	por !p2, p0  }
0x20: {  	[sflag:s8] =	ssyncset.s32 @!p0 $0xFFFFF086;
	s6 =	sadd.s32 @!p0 s3, s7;
	s7 =	simm.s32 @!p0 $0x108  }
0x21: {  	s3 =	sadd.s32 s3, s9;
	s6 =	sadd.s32 @!p0 $0x88, s6;
	s7 =	simm.s32 @p2 $0x1082  }
0x22: {  	[simem:s7], [sflag:s8] =	dma.local @!p0 [hbm:s6], $0xF7A  }
0x23: {  	s9 =	sor.u32 $0xD0000000, s2;
	s6 =	simm.s32 $0x108;
	_ =	swait.ge @!p0 [sflag:s8], $0x0  }
0x24: {  	s3 =	sadd.s32 $0x88, s3;
	s6 =	simm.s32 @!p1 $0x1082;
	[sflag:s4] =	ssyncset.s32 $0xFFFFF086  }
0x25: {  	[simem:s6], [sflag:s4] =	dma.local [hbm:s3], $0xF7A  }
0x26: {  	[smem:$0x3F93] =	sst s1;
	(tag) =	ssettag s2;
	_ =	strace s9  }
0x27: {  	s1 =	sld [smem:$0x3FA3]  }
0x28: {  	s2 =	sld [smem:$0x3FA4]  }
0x29: {  	s4 =	sld [smem:$0x3FA6]  }
0x2a: {  	p0 =	seq.s32 s5, $0x0;
	s5 =	sld [smem:$0x3FA7]  }
0x2b: {  	s6 =	sld [smem:$0x3FA8]  }
0x2c: {  	s7 =	sld [smem:$0x3FA9]  }
0x2d: {  	s3 =	simm.s32 $0x108;
	s8 =	sld [smem:$0x3FAA]  }
0x2e: {  	s3 =	simm.s32 @!p0 $0x1082;
	s9 =	sld [smem:$0x3FAB]  }
0x2f: {  	lr =	sadd.s32 s0, s3;
	s0 =	sld [smem:$0x3FA2]  }
0x30: {  	s3 =	sld [smem:$0x3FA5]  }
0x31: {  	[smem:$0x3FAE] =	sst s10  }
0x32: {  	s10 =	sld [smem:$0x3FAC];
	_ =	sdelay $0x3  }
0x33: {  	p0 =	seq.s32 s10, $0x1;
	s10 =	sld [smem:$0x3FAE];
	_ =	sdelay $0x3  }
0x34: {  	[smem:$0x3FAE] =	sst s10  }
0x35: {  	s10 =	sld [smem:$0x3FAD];
	_ =	sdelay $0x3  }
0x36: {  	p1 =	seq.s32 s10, $0x1;
	s10 =	sld [smem:$0x3FAE];
	_ =	sdelay $0x3  }
0x37: {  	[smem:$0x3FAE] =	sst s10  }
0x38: {  	s10 =	sld [smem:$0x3FAF]  }
0x39: {  	_ = 	snop;
	(pc) =	sbr.ind lr, $3  }
0x3a: {  	_ = 	snop  }
0x3b: {  	_ = 	snop  }
0x3c: {  	p2 =	seq.s32 s10, $0x1;
	s10 =	sld [smem:$0x3FAE]  }
0x3d: {  	_ =	shalt  }
0x3e: {  	_ =	shalt  }
0x3f: {  	_ =	shalt  }
0x40: {  	_ =	shalt  }
0x41: {  	_ =	shalt  }
0x42: {  	_ =	shalt  }
0x43: {  	_ =	shalt  }
0x44: {  	_ =	shalt  }
0x45: {  	_ =	shalt  }
0x46: {  	_ =	shalt  }
0x47: {  	_ =	shalt  }
0x48: {  	_ =	shalt  }
0x49: {  	_ =	shalt  }
0x4a: {  	_ =	shalt  }
0x4b: {  	_ =	shalt  }
0x4c: {  	_ =	shalt  }
0x4d: {  	_ =	shalt  }
0x4e: {  	_ =	shalt  }
0x4f: {  	_ =	shalt  }
0x50: {  	_ =	shalt  }
0x51: {  	_ =	shalt  }
0x52: {  	_ =	shalt  }
0x53: {  	_ =	shalt  }
0x54: {  	_ =	shalt  }
0x55: {  	_ =	shalt  }
0x56: {  	_ =	shalt  }
0x57: {  	_ =	shalt  }
0x58: {  	_ =	shalt  }
0x59: {  	_ =	shalt  }
0x5a: {  	_ =	shalt  }
0x5b: {  	_ =	shalt  }
0x5c: {  	_ =	shalt  }
0x5d: {  	_ =	shalt  }
0x5e: {  	_ =	shalt  }
0x5f: {  	_ =	shalt  }
0x60: {  	_ =	shalt  }
0x61: {  	_ =	shalt  }
0x62: {  	_ =	shalt  }
0x63: {  	_ =	shalt  }
0x64: {  	_ =	shalt  }
0x65: {  	_ =	shalt  }
0x66: {  	_ =	shalt  }
0x67: {  	_ =	shalt  }
0x68: {  	_ =	shalt  }
0x69: {  	_ =	shalt  }
0x6a: {  	_ =	shalt  }
0x6b: {  	_ =	shalt  }
0x6c: {  	_ =	shalt  }
0x6d: {  	_ =	shalt  }
0x6e: {  	_ =	shalt  }
0x6f: {  	_ =	shalt  }
0x70: {  	_ =	shalt  }
0x71: {  	_ =	shalt  }
0x72: {  	_ =	shalt  }
0x73: {  	_ =	shalt  }
0x74: {  	_ =	shalt  }
0x75: {  	_ =	shalt  }
0x76: {  	_ =	shalt  }
0x77: {  	_ =	shalt  }
0x78: {  	_ =	shalt  }
0x79: {  	_ =	shalt  }
0x7a: {  	_ =	shalt  }
0x7b: {  	_ =	shalt  }
0x7c: {  	_ =	shalt  }
0x7d: {  	_ =	shalt  }
0x7e: {  	_ =	shalt  }
0x7f: {  	_ =	shalt  }
0x80: {  	_ =	shalt  }
0x81: {  	_ =	shalt  }
0x82: {  	_ =	shalt  }
0x83: {  	_ =	shalt  }
0x84: {  	_ =	shalt  }
0x85: {  	_ =	shalt  }
0x86: {  	_ =	shalt  }
0x87: {  	_ =	shalt  }
.Lfunc_end0:
.L_simem_size_0:
called_computation_lowered:
.L_overlay_start_0:
0x88: {  	s2 =	sld [smem:$0x3FD9]  }
0x89: {  	s3 =	sld [smem:$0x3FFE];
	_ =	sdelay $0x1  }
0x8a: {  	s1 =	srdreg.scid  }
0x8b: {  	s0 =	sand.u32 $0x1, s1  }
0x8c: {  	s17 =	sshll.u32 s0, $0xA;
	s2 =	sadd.s32 s3, s2  }
0x8d: {  	s2 =	sadd.s32 s2, s17  }
0x8e: {  	[smem:$0x3FBA] =	sst s2  }
0x8f: {  	_ = 	snop  }
0x90: {  	s2 =	sld [smem:$0x3FC4]  }
0x91: {  	s18 =	sld [smem:$0x3FC3];
	(tm) =	ssettm $0x1  }
0x92: {  	s4 =	sld [smem:$0x3FFB];
	_ =	sdelay $0x3  }
0x93: {  	_ =	strace s4  }
0x94: {  	s4 =	sld [smem:$0x3FFC];
	_ =	sdelay $0x3  }
0x95: {  	_ =	strace s4  }
0x96: {  	s4 =	sld [smem:$0x3FFD];
	_ =	sdelay $0x3  }
0x97: {  	_ =	strace s4  }
0x98: {  	_ =	strace $0x8FFFFFFF  }
0x99: {  	s19 =	sld [smem:$0x3FDB];
	_ =	sdelay $0x1  }
0x9a: {  	s5 =	simm.s32 $_scs_section_size  }
0x9b: {  	s6 =	simm.s32 $_size__tile_overlayer_lowered;
	s7 =	simm.s32 $_tile_overlayer_lowered  }
0x9c: {  	s22 =	simm.s32 $0x1BFF;
	s21 =	sshll.u32 s7, $0x1;
	s4 =	sadd.s32 s5, s19  }
0x9d: {  	s8 =	simm.s32 $0x0;
	s20 =	sshll.u32 s6, $0x1;
	s6 =	sadd.s32 s21, s4  }
0x9e: {  	[timem:s8], [sflag:s22] =	dma.local [hbm:s6], s20  }
0x9f: {  	_ =	swait.ge [sflag:s22], s20  }
0xa0: {  	s5 =	ssub.s32 $0x0, s20;
	[sflag:s22] =	ssyncset.done $0x0  }
0xa1: {  	[sflag:s22] =	ssyncadd.s32 s5;
	_ =	sdelay $0x1  }
0xa2: {  	s23 =	simm.s32 $0x1B8B  }
0xa3: {  	_ =	swait.ge [sflag:s23], $0x1  }
0xa4: {  	[sflag:s23] =	ssyncset.done $0x0  }
0xa5: {  	s25 =	simm.s32 $0x1B8E;
	s24 =	sld [smem:$0x3FFE];
	[sflag:s23] =	ssyncadd.s32 $0xFFFFFFFF  }
0xa6: {  	s26 =	simm.s32 $execute0_lowered;
	[smem:$0x3FD2] =	sst s25  }
0xa7: {  	s6 =	sshll.u32 s26, $0x1;
	_ =	strace $0x80000046;
	[dreg:$0x1] =	wrdreg $0xFFFFFFFF  }
0xa8: {  	s28 =	simm.s32 $_size_execute0_lowered;
	s4 =	sadd.s32 s4, s6;
	[dreg:$0x0] =	wrdreg $0x0  }
0xa9: {  	s6 =	sshll.u32 s28, $0x1;
	[dreg:$0x2] =	wrdreg s4  }
0xaa: {  	[dreg:$0x3] =	wrdreg s6  }
0xab: {  	[dreg:$0x4] =	wrdreg $0xC0  }
0xac: {  	_ =	task [dreg:s8], $0x5FFFF  }
0xad: {  	[dreg:$0x1] =	wrdreg $0xFFFFFFFF  }
0xae: {  	[dreg:$0x0] =	wrdreg $0x60  }
0xaf: {  	[dreg:$0x2] =	wrdreg s2  }
0xb0: {  	[dreg:$0x3] =	wrdreg s18  }
0xb1: {  	[dreg:$0x4] =	wrdreg s24  }
0xb2: {  	[dreg:$0x5] =	wrdreg $0x9  }
0xb3: {  	_ =	task.clear_ibuf [dreg:s8], $0x6FFFF;
	_ =	strace $0x90000046  }
0xb4: {  	s29 =	simm.s32 $0x9;
	_ =	strace $0x80000048  }
0xb5: {  	_ =	swait.ge [sflag:s29], $0x1  }
0xb6: {  	[sflag:s29] =	ssyncadd.s32 $0xFFFFFFFF  }
0xb7: {  	_ =	strace $0x90000048  }
0xb8: {  	_ =	sfence  }
0xb9: {  	s30 =	sld [smem:$0x0];
	_ =	sdelay $0x2  }
0xba: {  	s31 =	sshll.u32 s1, $0xD;
	s1 =	sshrl.u32 s1, $0x2  }
0xbb: {  	s3 =	sand.u32 $0x4000, s31;
	s1 =	sadd.s32 s1, s30  }
0xbc: {  	s0 =	sor.u32 s3, s0;
	s1 =	sshll.u32 s1, $0x11  }
0xbd: {  	s0 =	sor.u32 s1, s0  }
0xbe: {  	s0 =	sadd.s32 $0x8F2B, s0  }
0xbf: {  	[sflag:s0] =	ssyncadd.remote.s32 $0x1  }
0xc0: {  	_ =	sfence.sel $0xFFFF  }
0xc1: {  	[dreg:$0x0] =	wrdreg $0xFFFFFFFF;
	(pc) =	sbr.abs _section_cstart, $3  }
0xc2: {  	[dreg:$0x1] =	wrdreg $0xFFFFFFFF  }
0xc3: {  	_ =	task.clear_ibuf [dreg:s8], $0x2FFFF;
	_ =	strace $0x9FFFFFFF  }
0xc4: {  	(tm) =	ssettm $0x7FFFFFFF  }
0xc5: {  	_ =	shalt  }
tec
execute0_lowered:
.L_overlay_start_1:
0x0: {  	(tag) =	ssettag $0x1  }
0x1: {  	s1 =	rddreg [dreg:$0x0]  }
0x2: {  	s2 =	rddreg [dreg:$0x1]  }
0x3: {  	s5 =	rddreg [dreg:$0x2]  }
0x4: {  	s0 =	rddreg [dreg:$0x3]  }
0x5: {  	s6 =	srdreg.scid;
	s4 =	simm.s32 $0x0;
	s3 =	stileid.u32  }
0x6: {  	s10 =	simm.s32 $0x80;
	s11 =	simm.s32 $0x880;
	s12 =	simm.s32 $0x1080  }
0x7: {  	s13 =	simm.s32 $0x1880;
	s14 =	simm.s32 $0x2080;
	s15 =	simm.s32 $0x2880  }
0x8: {  	s16 =	simm.s32 $0x3080;
	s17 =	simm.s32 $0x3880;
	s18 =	simm.s32 $0x4080  }
0x9: {  	s19 =	simm.s32 $0x4880;
	s20 =	simm.s32 $0x5080;
	s21 =	simm.s32 $0x5880  }
0xa: {  	s22 =	simm.s32 $0x6080;
	s23 =	simm.s32 $0x6880;
	s24 =	simm.s32 $0x7080  }
0xb: {  	s25 =	simm.s32 $0x7880;
	s26 =	simm.s32 $0x1;
	s6 =	sand.u32 $0x1, s6  }
0xc: {  	[smem:$0x7FF] =	sst s4;
	s7 =	sshll.u32 s3, $0x7;
	s8 =	sshll.u32 s6, $0x6  }
0xd: {  	s28 =	simm.s32 $0x2;
	_ =	strace $0x80000047;
	s7 =	sor.u32 s8, s7  }
0xe: {  	s6 =	ssub.s32 $0x2, s6;
	s8 =	sshrl.u32 s7, $0x3;
	s7 =	sshll.u32 s7, $0x5  }
0xf: {  	v2 =	vlaneseq.u32;
	s31 =	sshrl.u32 s6, $0x1;
	s8 =	sadd.s32 s8, s5;
	s7 =	sadd.s32 s7, s5  }
0x10: {  	vm0 =	vmmov $0xffff;
	v1 =	vshrl.u32 v2, $0x3;
	s9 =	ssub.s32 s6, s31;
	s5 =	sadd.s32 $0x2400, s8;
	s6 =	sadd.s32 $0x2600, s7  }
0x11: {  	v0 =	vand.u32 $0x7, v2;
	v2 =	vor.u32 $0x8, v2;
	v1 =	vmul.u32 $0x8, v1;
	s7 =	sadd.s32 $0x12600, s7;
	s8 =	smax.u32 s9, $0x1;
	s9 =	simm.s32 $0x3  }
.LBB2_1:
0x12: {  	[tilespmem:s4], [sflag:$0x3] =	stream.linear.gather [hbm4b:s5+s4], $0x40, $0x38;
	[tilespmem:$0x8080] =	vst v63  }
0x13: {  	_ =	swait.ge [sflag:s9], $0x40  }
0x14: {  	[sflag:s9] =	ssyncset.done $0x0  }
0x15: {  	[sflag:s9] =	ssyncadd.s32 $0xFFFFFFC0  }
0x16: {  	v3 =	vld [tilespmem:$0x0];
	_ =	sdelay $0x4  }
0x17: {  	v4 =	vshll.u32 v3, $0x1  }
0x18: {  	v3 =	vand.u32 $0x7, v3;
	v4 =	vand.u32 $0xFFFFFFF0, v4  }
0x19: {  	v3 =	vor.u32 v3, v4  }
0x1a: {  	v4 =	vperm.xlane v3, v0;
	_ =	sdelay $0x1  }
0x1b: {  	v3 =	vperm.xlane v3, v2;
	v4 =	vadd.s32 v1, v4;
	_ =	sdelay $0x1  }
0x1c: {  	v3 =	vadd.s32 v1, v3;
	_ =	sdelay $0x2  }
0x1d: {  	[tilespmem:s10], [sflag:$0x1] =	stream.indirect_vreg.gather [hbm4b:s1+s4], $0x80, v4, vm0, $0xb8;
	[tilespmem:$0x8080] =	vst v63  }
0x1e: {  	_ = 	snop  }
0x1f: {  	[tilespmem:s11], [sflag:$0x1] =	stream.indirect_vreg.gather [hbm4b:s1+s4], $0x80, v3, vm0, $0xb8;
	[tilespmem:$0x8080] =	vst v63  }
0x20: {  	v3 =	vld [tilespmem:$0x10];
	_ =	sdelay $0x4  }
0x21: {  	v57 =	vshll.u32 v3, $0x1  }
0x22: {  	v3 =	vand.u32 $0x7, v3;
	v4 =	vand.u32 $0xFFFFFFF0, v57  }
0x23: {  	v3 =	vor.u32 v3, v4  }
0x24: {  	v4 =	vperm.xlane v3, v0;
	_ =	sdelay $0x1  }
0x25: {  	v3 =	vperm.xlane v3, v2;
	v4 =	vadd.s32 v1, v4;
	_ =	sdelay $0x1  }
0x26: {  	v3 =	vadd.s32 v1, v3;
	_ =	sdelay $0x2  }
0x27: {  	[tilespmem:s12], [sflag:$0x1] =	stream.indirect_vreg.gather [hbm4b:s1+s4], $0x80, v4, vm0, $0xb8;
	[tilespmem:$0x8080] =	vst v63  }
0x28: {  	_ = 	snop  }
0x29: {  	[tilespmem:s13], [sflag:$0x1] =	stream.indirect_vreg.gather [hbm4b:s1+s4], $0x80, v3, vm0, $0xb8;
	[tilespmem:$0x8080] =	vst v63  }
0x2a: {  	v3 =	vld [tilespmem:$0x20];
	_ =	sdelay $0x4  }
0x2b: {  	v58 =	vshll.u32 v3, $0x1  }
0x2c: {  	v3 =	vand.u32 $0x7, v3;
	v4 =	vand.u32 $0xFFFFFFF0, v58  }
0x2d: {  	v3 =	vor.u32 v3, v4  }
0x2e: {  	v4 =	vperm.xlane v3, v0;
	_ =	sdelay $0x1  }
0x2f: {  	v3 =	vperm.xlane v3, v2;
	v4 =	vadd.s32 v1, v4;
	_ =	sdelay $0x1  }
0x30: {  	v3 =	vadd.s32 v1, v3;
	_ =	sdelay $0x2  }
0x31: {  	[tilespmem:s14], [sflag:$0x1] =	stream.indirect_vreg.gather [hbm4b:s1+s4], $0x80, v4, vm0, $0xb8;
	[tilespmem:$0x8080] =	vst v63  }
0x32: {  	_ = 	snop  }
0x33: {  	[tilespmem:s15], [sflag:$0x1] =	stream.indirect_vreg.gather [hbm4b:s1+s4], $0x80, v3, vm0, $0xb8;
	[tilespmem:$0x8080] =	vst v63  }
0x34: {  	v3 =	vld [tilespmem:$0x30];
	_ =	sdelay $0x4  }
0x35: {  	v59 =	vshll.u32 v3, $0x1  }
0x36: {  	v3 =	vand.u32 $0x7, v3;
	v4 =	vand.u32 $0xFFFFFFF0, v59  }
0x37: {  	v3 =	vor.u32 v3, v4  }
0x38: {  	v4 =	vperm.xlane v3, v0;
	_ =	sdelay $0x1  }
0x39: {  	v3 =	vperm.xlane v3, v2;
	v4 =	vadd.s32 v1, v4;
	_ =	sdelay $0x1  }
0x3a: {  	v3 =	vadd.s32 v1, v3;
	_ =	sdelay $0x2  }
0x3b: {  	[tilespmem:s16], [sflag:$0x1] =	stream.indirect_vreg.gather [hbm4b:s1+s4], $0x80, v4, vm0, $0xb8;
	[tilespmem:$0x8080] =	vst v63  }
0x3c: {  	_ = 	snop  }
0x3d: {  	[tilespmem:s17], [sflag:$0x1] =	stream.indirect_vreg.gather [hbm4b:s1+s4], $0x80, v3, vm0, $0xb8;
	[tilespmem:$0x8080] =	vst v63  }
0x3e: {  	v3 =	vld [tilespmem:$0x0];
	_ =	sdelay $0x4  }
0x3f: {  	v60 =	vshll.u32 v3, $0x1  }
0x40: {  	v3 =	vand.u32 $0x7, v3;
	v4 =	vand.u32 $0xFFFFFFF0, v60  }
0x41: {  	v3 =	vor.u32 v3, v4  }
0x42: {  	v4 =	vperm.xlane v3, v0;
	_ =	sdelay $0x1  }
0x43: {  	v3 =	vperm.xlane v3, v2;
	v4 =	vadd.s32 v1, v4;
	_ =	sdelay $0x1  }
0x44: {  	v3 =	vadd.s32 v1, v3;
	_ =	sdelay $0x2  }
0x45: {  	[tilespmem:s18], [sflag:$0x2] =	stream.indirect_vreg.gather [hbm4b:s2+s4], $0x80, v4, vm0, $0xb8;
	[tilespmem:$0x8080] =	vst v63  }
0x46: {  	_ = 	snop  }
0x47: {  	[tilespmem:s19], [sflag:$0x2] =	stream.indirect_vreg.gather [hbm4b:s2+s4], $0x80, v3, vm0, $0xb8;
	[tilespmem:$0x8080] =	vst v63  }
0x48: {  	v3 =	vld [tilespmem:$0x10];
	_ =	sdelay $0x4  }
0x49: {  	v61 =	vshll.u32 v3, $0x1  }
0x4a: {  	v3 =	vand.u32 $0x7, v3;
	v4 =	vand.u32 $0xFFFFFFF0, v61  }
0x4b: {  	v3 =	vor.u32 v3, v4  }
0x4c: {  	v4 =	vperm.xlane v3, v0;
	_ =	sdelay $0x1  }
0x4d: {  	v3 =	vperm.xlane v3, v2;
	v4 =	vadd.s32 v1, v4;
	_ =	sdelay $0x1  }
0x4e: {  	v3 =	vadd.s32 v1, v3;
	_ =	sdelay $0x2  }
0x4f: {  	[tilespmem:s20], [sflag:$0x2] =	stream.indirect_vreg.gather [hbm4b:s2+s4], $0x80, v4, vm0, $0xb8;
	[tilespmem:$0x8080] =	vst v63  }
0x50: {  	_ = 	snop  }
0x51: {  	[tilespmem:s21], [sflag:$0x2] =	stream.indirect_vreg.gather [hbm4b:s2+s4], $0x80, v3, vm0, $0xb8;
	[tilespmem:$0x8080] =	vst v63  }
0x52: {  	v3 =	vld [tilespmem:$0x20];
	_ =	sdelay $0x4  }
0x53: {  	v62 =	vshll.u32 v3, $0x1  }
0x54: {  	v3 =	vand.u32 $0x7, v3;
	v4 =	vand.u32 $0xFFFFFFF0, v62  }
0x55: {  	v3 =	vor.u32 v3, v4  }
0x56: {  	v4 =	vperm.xlane v3, v0;
	_ =	sdelay $0x1  }
0x57: {  	v3 =	vperm.xlane v3, v2;
	v4 =	vadd.s32 v1, v4;
	_ =	sdelay $0x1  }
0x58: {  	v3 =	vadd.s32 v1, v3;
	_ =	sdelay $0x2  }
0x59: {  	[tilespmem:s22], [sflag:$0x2] =	stream.indirect_vreg.gather [hbm4b:s2+s4], $0x80, v4, vm0, $0xb8;
	[tilespmem:$0x8080] =	vst v63  }
0x5a: {  	_ = 	snop  }
0x5b: {  	[tilespmem:s23], [sflag:$0x2] =	stream.indirect_vreg.gather [hbm4b:s2+s4], $0x80, v3, vm0, $0xb8;
	[tilespmem:$0x8080] =	vst v63  }
0x5c: {  	v3 =	vld [tilespmem:$0x30];
	_ =	sdelay $0x4  }
0x5d: {  	v63 =	vshll.u32 v3, $0x1  }
0x5e: {  	v3 =	vand.u32 $0x7, v3;
	v4 =	vand.u32 $0xFFFFFFF0, v63  }
0x5f: {  	v3 =	vor.u32 v3, v4  }
0x60: {  	v4 =	vperm.xlane v3, v0;
	_ =	sdelay $0x1  }
0x61: {  	v3 =	vperm.xlane v3, v2;
	v4 =	vadd.s32 v1, v4;
	_ =	sdelay $0x1  }
0x62: {  	v3 =	vadd.s32 v1, v3;
	_ =	sdelay $0x2  }
0x63: {  	[tilespmem:s24], [sflag:$0x2] =	stream.indirect_vreg.gather [hbm4b:s2+s4], $0x80, v4, vm0, $0xb8;
	[tilespmem:$0x8080] =	vst v63  }
0x64: {  	_ = 	snop  }
0x65: {  	[tilespmem:s25], [sflag:$0x2] =	stream.indirect_vreg.gather [hbm4b:s2+s4], $0x80, v3, vm0, $0xb8;
	[tilespmem:$0x8080] =	vst v63  }
0x66: {  	_ =	swait.ge [sflag:s26], $0x4000  }
0x67: {  	[sflag:s26] =	ssyncset.done $0x0  }
0x68: {  	[sflag:s26] =	ssyncadd.s32 $0xFFFFC000  }
0x69: {  	_ =	swait.ge [sflag:s28], $0x4000  }
0x6a: {  	[sflag:s28] =	ssyncset.done $0x0  }
0x6b: {  	[sflag:s28] =	ssyncadd.s32 $0xFFFFC000  }
0x6c: {  	[hbm4b:s6+s4] =	stream.linear.scatter [tilespmem:s10], [sflag:$0x3], $0x4000, $0x38;
	[tilespmem:$0x8080] =	vst v63  }
0x6d: {  	_ =	swait.ge [sflag:s9], $0x4000  }
0x6e: {  	p0 =	sne.s32 s8, $0x1;
	[sflag:s9] =	ssyncset.done $0x0  }
.Ltmp0:
0x6f: {  	[sflag:s9] =	ssyncadd.s32 $0xFFFFC000;
	(pc) =	sbr.rel @p0 .LBB2_1-.Ltmp0, $4  }
0x70: {  	[hbm4b:s7+s4] =	stream.linear.scatter [tilespmem:s18], [sflag:$0x3], $0x4000, $0x38;
	[tilespmem:$0x8080] =	vst v63  }
0x71: {  	_ =	swait.ge [sflag:s9], $0x4000  }
0x72: {  	[sflag:s9] =	ssyncset.done $0x0  }
0x73: {  	s8 =	sadd.s32 $0xFFFFFFFF, s8;
	[sflag:s9] =	ssyncadd.s32 $0xFFFFC000  }
0x74: {  	_ =	sfence.sel $0x180000  }
0x75: {  	[bflag:$0x0] =	sbarrier.arrive $0xFFFF  }
0x76: {  	p0 =	sne.s32 s3, $0x0;
	_ =	strace $0x90000047  }
0x77: {  	s0 =	sadd.s32 @!p0 $0x100000, s0;
	[bflag:$0x2] =	sbarrier.arrive $0xFFFF  }
0x78: {  	[sflag:s0] =	ssyncadd.tile.s32 @!p0 $0x1;
	_ =	shalt  }
.Lfunc_end2:
_tile_overlayer_lowered:
.L_overlay_start_2:
0x79: {  	(tag) =	ssettag $0x2  }
0x7a: {  	s0 =	rddreg [dreg:$0x0];
	s2 =	stileid.u32  }
0x7b: {  	s1 =	rddreg [dreg:$0x1];
	p0 =	sne.s32 s2, $0x0  }
0x7c: {  	s3 =	rddreg [dreg:$0x2];
	[bflag:$0x3] =	sbarrier.arrive $0xFFFF;
	s2 =	simm.s32 @!p0 $0x1C03  }
0x7d: {  	[timem:s3], [sflag:s2] =	dma.local @!p0 [hbm:s0], s1  }
0x7e: {  	s0 =	simm.s32 @!p0 $0x3  }
0x7f: {  	_ =	swait.ge @!p0 [sflag:s0], s1  }
0x80: {  	s1 =	ssub.s32 @!p0 $0x0, s1;
	[sflag:s0] =	ssyncset.done @!p0 $0x0  }
0x81: {  	[sflag:s0] =	ssyncadd.s32 @!p0 s1  }
0x82: {  	[bflag:$0x3] =	sbarrier.arrive $0xFFFF  }
0x83: {  	_ =	shalt  }

</sc_bundles>
